<compile_context>
chip_gen: v7x
topology: tpu7x:2x2x1
jax: 0.10.2.dev20260603
libtpu: 0.0.44.dev20260713+nightly
codegen_flags: <defaults>
</compile_context>

<pallas_src>
import jax
import jax.numpy as jnp
from jax import lax
from jax.experimental import pallas as pl
from jax.experimental.pallas import tpu as pltpu
from jax.experimental.pallas import tpu_sc as plsc

_B = 16384
_GL = 6
_NC = 2
_NS = 16
_NW = _NC * _NS
_BPW = _B // _NW

_CU = 128
_NCHU = _BPW // _CU

_TB = 2048


def _big_body(uid_h, mov_h, zip_h, w_uid, w_mov, w_zip,
              o_uid, o_mov, o_zip,
              iu_v, im_v, i_zip, su, sm, r_zip, semi, semz, semb, semo):
  wid = lax.axis_index("s") * _NC + lax.axis_index("c")
  wbase = wid * _BPW
  icps = [
      pltpu.async_copy(uid_h.at[pl.ds(wbase, _BPW)],
                       iu_v.at[pl.ds(0, _BPW)], semi),
      pltpu.async_copy(mov_h.at[pl.ds(wbase, _BPW)],
                       im_v.at[pl.ds(0, _BPW)], semi),
      pltpu.async_copy(zip_h.at[pl.ds(wbase, _BPW)], i_zip, semi),
  ]
  for cp in icps:
    cp.wait()

  def chunk(k, c2):
    base = k * _CU

    def fire(s, c3):
      iu = iu_v[pl.ds(base + s, 16)][0]
      im = im_v[pl.ds(base + s, 16)][0]
      iz = i_zip[pl.ds(base + s, 16)][0]
      pltpu.make_async_copy(w_uid.at[lax.shift_right_logical(iu, 3), iu & 7],
                            su.at[s], semb).start()
      pltpu.make_async_copy(w_mov.at[lax.shift_right_logical(im, 3), im & 7],
                            sm.at[s], semb).start()
      pltpu.make_async_copy(w_zip.at[lax.shift_right_logical(iz, 3), iz & 7],
                            r_zip.at[base + s], semb).start()
      return c3
    lax.fori_loop(0, _CU, fire, 0)

    def drain(s, c3):
      pltpu.make_async_copy(w_uid.at[0, 0], su.at[s], semb).wait()
      pltpu.make_async_copy(w_mov.at[0, 0], sm.at[s], semb).wait()
      pltpu.make_async_copy(w_zip.at[0, 0], r_zip.at[base + s], semb).wait()
      return c3
    lax.fori_loop(0, _CU, drain, 0)

    pltpu.async_copy(su, o_uid.at[pl.ds(wbase + base, _CU)], semo)
    pltpu.async_copy(sm, o_mov.at[pl.ds(wbase + base, _CU)], semo)
    pltpu.make_async_copy(su, o_uid.at[pl.ds(0, _CU)], semo).wait()
    pltpu.make_async_copy(sm, o_mov.at[pl.ds(0, _CU)], semo).wait()
    return c2
  lax.fori_loop(0, _NCHU, chunk, 0)

  pltpu.async_copy(r_zip, o_zip.at[pl.ds(wbase, _BPW)], semo)
  pltpu.make_async_copy(r_zip, o_zip.at[pl.ds(0, _BPW)], semo).wait()


def _tc_body(gen_ref, age_ref, occ_ref, gnr_ref,
             t_gen, t_age, t_occ, t_gnr,
             o_gen, o_age, o_occ, o_gnr):
  f32 = jnp.float32

  def onehot_mm(idx, table, n):
    oh = (idx[:, None] == lax.broadcasted_iota(jnp.int32, (_TB, n), 1))
    return jnp.dot(oh.astype(f32), table[...], preferred_element_type=f32,
                   precision=lax.Precision.HIGHEST)

  o_gen[...] = onehot_mm(gen_ref[...], t_gen, 8)
  o_age[...] = onehot_mm(age_ref[...], t_age, 8)
  o_occ[...] = onehot_mm(occ_ref[...], t_occ, 24)

  g = gnr_ref[...]
  cnt = (g[:, 0, None] == lax.broadcasted_iota(jnp.int32, (_TB, 24), 1))
  cnt = cnt.astype(f32)
  for j in range(1, _GL):
    cnt += (g[:, j, None] ==
            lax.broadcasted_iota(jnp.int32, (_TB, 24), 1)).astype(f32)
  o_gnr[...] = jnp.dot(cnt, t_gnr[...], preferred_element_type=f32,
                       precision=lax.Precision.HIGHEST) * (1.0 / _GL)


@jax.jit
def _run(uid, movieid, gender, age, occ, zip_code, genres,
         W_uid, W_movieid, W_gender, W_age, W_occ, W_zip_code, W_genres):
  f32 = jnp.float32

  t_gen = jnp.zeros((8, 16), f32).at[:3].set(W_gender)
  t_age = W_age
  t_occ = jnp.zeros((24, 16), f32).at[:22].set(W_occ)
  t_gnr = jnp.zeros((24, 32), f32).at[:19].set(W_genres)

  grid = _B // _TB
  tc_kernel = pl.pallas_call(
      _tc_body,
      grid=(grid,),
      in_specs=[
          pl.BlockSpec((_TB,), lambda i: (i,)),
          pl.BlockSpec((_TB,), lambda i: (i,)),
          pl.BlockSpec((_TB,), lambda i: (i,)),
          pl.BlockSpec((_TB, _GL), lambda i: (i, 0)),
          pl.BlockSpec((8, 16), lambda i: (0, 0)),
          pl.BlockSpec((8, 16), lambda i: (0, 0)),
          pl.BlockSpec((24, 16), lambda i: (0, 0)),
          pl.BlockSpec((24, 32), lambda i: (0, 0)),
      ],
      out_specs=[
          pl.BlockSpec((_TB, 16), lambda i: (i, 0)),
          pl.BlockSpec((_TB, 16), lambda i: (i, 0)),
          pl.BlockSpec((_TB, 16), lambda i: (i, 0)),
          pl.BlockSpec((_TB, 32), lambda i: (i, 0)),
      ],
      out_shape=[
          jax.ShapeDtypeStruct((_B, 16), f32),
          jax.ShapeDtypeStruct((_B, 16), f32),
          jax.ShapeDtypeStruct((_B, 16), f32),
          jax.ShapeDtypeStruct((_B, 32), f32),
      ],
  )
  out_gen, out_age, out_occ, out_gnr = tc_kernel(
      gender, age, occ, genres, t_gen, t_age, t_occ, t_gnr)

  big_kernel = pl.kernel(
      _big_body,
      out_type=(
          jax.ShapeDtypeStruct((_B, 64), f32),
          jax.ShapeDtypeStruct((_B, 64), f32),
          jax.ShapeDtypeStruct((_B, 32), f32),
      ),
      mesh=plsc.VectorSubcoreMesh(core_axis_name="c", subcore_axis_name="s"),
      scratch_types=[
          pltpu.VMEM((_BPW + 16,), jnp.int32),
          pltpu.VMEM((_BPW + 16,), jnp.int32),
          pltpu.VMEM((_BPW,), jnp.int32),
          pltpu.VMEM((_CU, 64), f32),
          pltpu.VMEM((_CU, 64), f32),
          pltpu.VMEM((_BPW, 32), f32),
          pltpu.SemaphoreType.DMA,
          pltpu.SemaphoreType.DMA,
          pltpu.SemaphoreType.DMA,
          pltpu.SemaphoreType.DMA,
      ],
      compiler_params=pltpu.CompilerParams(use_tc_tiling_on_sc=True,
                                           needs_layout_passes=False),
  )
  w_zip3 = jnp.zeros((3504, 32), f32).at[:3500].set(W_zip_code).reshape(-1, 8, 32)
  out_uid, out_mov, out_zip = big_kernel(
      uid, movieid, zip_code,
      W_uid.reshape(-1, 8, 64), W_movieid.reshape(-1, 8, 64), w_zip3)

  return (out_uid, out_mov, out_gen, out_age, out_occ, out_zip, out_gnr)


def kernel(uid, movieid, gender, age, occ, zip_code, genres,
           W_uid, W_movieid, W_gender, W_age, W_occ, W_zip_code, W_genres):
  i32 = jnp.int32
  return _run(uid.astype(i32), movieid.astype(i32), gender.astype(i32),
              age.astype(i32), occ.astype(i32), zip_code.astype(i32),
              genres.astype(i32),
              W_uid, W_movieid, W_gender, W_age, W_occ, W_zip_code, W_genres)

# --- scband reference (transcript-rebuilt; emitter-appended) ---
"""Pipeline reference for scband-feature-embedding-54966991454514 (READ-ONLY COPY).

The authoritative reference and input builder live on the scoring server;
editing this copy changes nothing except your own understanding.
"""

import jax, jax.numpy as jnp
import numpy as np

EMB_NUM = {'uid': 1000000, 'movieid': 100000, 'gender': 3, 'age': 8, 'occ': 22, 'zip_code': 3500, 'genres': 19}
EMB_DIM = {'uid': 64, 'movieid': 64, 'gender': 16, 'age': 16, 'occ': 16, 'zip_code': 32, 'genres': 32}
B = 16384
GENRE_LEN = 6


def _make_table(key, n, d):
    t = jax.random.normal(key, (n, d), dtype=jnp.float32) * 0.02
    # padding_idx=0: row 0 initialized to zero (as nn.Embedding with padding_idx)
    return t.at[0].set(0.0)


def setup_inputs(seed: int = 0) -> dict:
    key = jax.random.key(seed)
    ks = jax.random.split(key, 14)
    inp = {}
    inp['uid'] = jax.random.randint(ks[0], (B,), 0, EMB_NUM['uid'], dtype=jnp.int64 if jax.config.jax_enable_x64 else jnp.int32)
    inp['movieid'] = jax.random.randint(ks[1], (B,), 0, EMB_NUM['movieid'])
    inp['gender'] = jax.random.randint(ks[2], (B,), 0, EMB_NUM['gender'])
    inp['age'] = jax.random.randint(ks[3], (B,), 0, EMB_NUM['age'])
    inp['occ'] = jax.random.randint(ks[4], (B,), 0, EMB_NUM['occ'])
    inp['zip_code'] = jax.random.randint(ks[5], (B,), 0, EMB_NUM['zip_code'])
    inp['genres'] = jax.random.randint(ks[6], (B, GENRE_LEN), 0, EMB_NUM['genres'])
    inp['W_uid'] = _make_table(ks[7], EMB_NUM['uid'], EMB_DIM['uid'])
    inp['W_movieid'] = _make_table(ks[8], EMB_NUM['movieid'], EMB_DIM['movieid'])
    inp['W_gender'] = _make_table(ks[9], EMB_NUM['gender'], EMB_DIM['gender'])
    inp['W_age'] = _make_table(ks[10], EMB_NUM['age'], EMB_DIM['age'])
    inp['W_occ'] = _make_table(ks[11], EMB_NUM['occ'], EMB_DIM['occ'])
    inp['W_zip_code'] = _make_table(ks[12], EMB_NUM['zip_code'], EMB_DIM['zip_code'])
    inp['W_genres'] = _make_table(ks[13], EMB_NUM['genres'], EMB_DIM['genres'])
    return inp


def _emb(table, idx):
    # nn.Embedding with padding_idx=0: output at idx==0 is the (zero) padding row,
    # and no gradient flows to row 0. Mask reproduces both behaviors.
    e = jnp.take(table, idx, axis=0)
    mask = (idx != 0).astype(e.dtype)[..., None]
    return e * mask


def reference(uid, movieid, gender, age, occ, zip_code, genres,
              W_uid, W_movieid, W_gender, W_age, W_occ, W_zip_code, W_genres):
    out_uid = _emb(W_uid, uid)
    out_movieid = _emb(W_movieid, movieid)
    out_gender = _emb(W_gender, gender)
    out_age = _emb(W_age, age)
    out_occ = _emb(W_occ, occ)
    out_zip = _emb(W_zip_code, zip_code)
    out_genres = jnp.mean(_emb(W_genres, genres), axis=-2)
    return (out_uid, out_movieid, out_gender, out_age, out_occ, out_zip, out_genres)

if __name__ == "__main__":
    import jax
    _d = setup_inputs()
    print(jax.jit(kernel)(*tuple(_d.values())))

</pallas_src>

<mosaic_0001>
#map = affine_map<(d0, d1) -> (0)>
#map1 = affine_map<(d0, d1) -> (0, 0, 0)>
#map2 = affine_map<(d0, d1) -> (0, 0)>
module attributes {stable_mosaic.version = 14 : i64} {
  func.func @_big_body(%arg0: i32, %arg1: i32, %arg2: memref<16384xi32, #tpu.memory_space<hbm>>, %arg3: memref<16384xi32, #tpu.memory_space<hbm>>, %arg4: memref<16384xi32, #tpu.memory_space<hbm>>, %arg5: memref<125000x8x64xf32, #tpu.memory_space<hbm>>, %arg6: memref<12500x8x64xf32, #tpu.memory_space<hbm>>, %arg7: memref<438x8x32xf32, #tpu.memory_space<hbm>>, %arg8: memref<16384x64xf32, #tpu.memory_space<hbm>>, %arg9: memref<16384x64xf32, #tpu.memory_space<hbm>>, %arg10: memref<16384x32xf32, #tpu.memory_space<hbm>>, %arg11: memref<528xi32, #tpu.memory_space<vmem>>, %arg12: memref<528xi32, #tpu.memory_space<vmem>>, %arg13: memref<512xi32, #tpu.memory_space<vmem>>, %arg14: memref<128x64xf32, #tpu.memory_space<vmem>>, %arg15: memref<128x64xf32, #tpu.memory_space<vmem>>, %arg16: memref<512x32xf32, #tpu.memory_space<vmem>>, %arg17: memref<!tpu.dma_semaphore, #tpu.memory_space<semaphore_mem>>, %arg18: memref<!tpu.dma_semaphore, #tpu.memory_space<semaphore_mem>>, %arg19: memref<!tpu.dma_semaphore, #tpu.memory_space<semaphore_mem>>, %arg20: memref<!tpu.dma_semaphore, #tpu.memory_space<semaphore_mem>>) attributes {dimension_semantics = [#tpu.dimension_semantics<core_parallel>, #tpu.dimension_semantics<subcore_parallel>], iteration_bounds = array<i64: 2, 16>, scalar_prefetch = 0 : i64, scratch_operands = 10 : i64, tpu.core_type = #tpu.core_type<sc_vector_subcore>, window_params = [{transform_indices = #map}, {transform_indices = #map}, {transform_indices = #map}, {transform_indices = #map1}, {transform_indices = #map1}, {transform_indices = #map1}, {transform_indices = #map2}, {transform_indices = #map2}, {transform_indices = #map2}]} {
    %mul3A = arith.constant 2 : i32
    %mul3A_0 = arith.muli %arg1, %mul3A : i32
    %add3A = arith.addi %mul3A_0, %arg0 : i32
    %mul3A_1 = arith.constant 512 : i32
    %mul3A_2 = arith.muli %add3A, %mul3A_1 : i32
    %dma_start3A = arith.constant 0 : i32
    %dma_start3A_3 = tpu.memref_slice %arg11[%dma_start3A] : memref<528xi32, #tpu.memory_space<vmem>> -> memref<512xi32, #tpu.memory_space<vmem>>
    %dma_start3A_4 = tpu.memref_slice %arg2[%mul3A_2] : memref<16384xi32, #tpu.memory_space<hbm>> -> memref<512xi32, #tpu.memory_space<hbm>>
    %dma_start3A_5 = arith.constant 0 : i32
    %dma_start3A_6 = tpu.memref_slice %arg11[%dma_start3A_5] : memref<528xi32, #tpu.memory_space<vmem>> -> memref<512xi32, #tpu.memory_space<vmem>>
    %dma_start3A_7 = tpu.memref_slice %arg2[%mul3A_2] : memref<16384xi32, #tpu.memory_space<hbm>> -> memref<512xi32, #tpu.memory_space<hbm>>
    tpu.enqueue_dma source(%dma_start3A_7 : memref<512xi32, #tpu.memory_space<hbm>>) target(%dma_start3A_6 : memref<512xi32, #tpu.memory_space<vmem>>) target_semaphore(%arg17 : memref<!tpu.dma_semaphore, #tpu.memory_space<semaphore_mem>>)
    %dma_start3A_8 = arith.constant 0 : i32
    %dma_start3A_9 = tpu.memref_slice %arg12[%dma_start3A_8] : memref<528xi32, #tpu.memory_space<vmem>> -> memref<512xi32, #tpu.memory_space<vmem>>
    %dma_start3A_10 = tpu.memref_slice %arg3[%mul3A_2] : memref<16384xi32, #tpu.memory_space<hbm>> -> memref<512xi32, #tpu.memory_space<hbm>>
    %dma_start3A_11 = arith.constant 0 : i32
    %dma_start3A_12 = tpu.memref_slice %arg12[%dma_start3A_11] : memref<528xi32, #tpu.memory_space<vmem>> -> memref<512xi32, #tpu.memory_space<vmem>>
    %dma_start3A_13 = tpu.memref_slice %arg3[%mul3A_2] : memref<16384xi32, #tpu.memory_space<hbm>> -> memref<512xi32, #tpu.memory_space<hbm>>
    tpu.enqueue_dma source(%dma_start3A_13 : memref<512xi32, #tpu.memory_space<hbm>>) target(%dma_start3A_12 : memref<512xi32, #tpu.memory_space<vmem>>) target_semaphore(%arg17 : memref<!tpu.dma_semaphore, #tpu.memory_space<semaphore_mem>>)
    %dma_start3A_14 = tpu.memref_slice %arg4[%mul3A_2] : memref<16384xi32, #tpu.memory_space<hbm>> -> memref<512xi32, #tpu.memory_space<hbm>>
    %dma_start3A_15 = tpu.memref_slice %arg4[%mul3A_2] : memref<16384xi32, #tpu.memory_space<hbm>> -> memref<512xi32, #tpu.memory_space<hbm>>
    tpu.enqueue_dma source(%dma_start3A_15 : memref<512xi32, #tpu.memory_space<hbm>>) target(%arg13 : memref<512xi32, #tpu.memory_space<vmem>>) target_semaphore(%arg17 : memref<!tpu.dma_semaphore, #tpu.memory_space<semaphore_mem>>)
    %dma_wait3A = arith.constant 0 : i32
    %dma_wait3A_16 = tpu.memref_slice %arg11[%dma_wait3A] : memref<528xi32, #tpu.memory_space<vmem>> -> memref<512xi32, #tpu.memory_space<vmem>>
    %dma_wait3A_17 = tpu.memref_slice %arg2[%mul3A_2] : memref<16384xi32, #tpu.memory_space<hbm>> -> memref<512xi32, #tpu.memory_space<hbm>>
    %dma_wait3A_18 = arith.constant 0 : i32
    %dma_wait3A_19 = tpu.memref_slice %arg11[%dma_wait3A_18] : memref<528xi32, #tpu.memory_space<vmem>> -> memref<512xi32, #tpu.memory_space<vmem>>
    %dma_wait3A_20 = tpu.memref_slice %arg2[%mul3A_2] : memref<16384xi32, #tpu.memory_space<hbm>> -> memref<512xi32, #tpu.memory_space<hbm>>
    tpu.wait_dma2 semaphore(%arg17 : memref<!tpu.dma_semaphore, #tpu.memory_space<semaphore_mem>>) src(%dma_wait3A_20 : memref<512xi32, #tpu.memory_space<hbm>>) dst(%dma_wait3A_19 : memref<512xi32, #tpu.memory_space<vmem>>)
    %dma_wait3A_21 = arith.constant 0 : i32
    %dma_wait3A_22 = tpu.memref_slice %arg12[%dma_wait3A_21] : memref<528xi32, #tpu.memory_space<vmem>> -> memref<512xi32, #tpu.memory_space<vmem>>
    %dma_wait3A_23 = tpu.memref_slice %arg3[%mul3A_2] : memref<16384xi32, #tpu.memory_space<hbm>> -> memref<512xi32, #tpu.memory_space<hbm>>
    %dma_wait3A_24 = arith.constant 0 : i32
    %dma_wait3A_25 = tpu.memref_slice %arg12[%dma_wait3A_24] : memref<528xi32, #tpu.memory_space<vmem>> -> memref<512xi32, #tpu.memory_space<vmem>>
    %dma_wait3A_26 = tpu.memref_slice %arg3[%mul3A_2] : memref<16384xi32, #tpu.memory_space<hbm>> -> memref<512xi32, #tpu.memory_space<hbm>>
    tpu.wait_dma2 semaphore(%arg17 : memref<!tpu.dma_semaphore, #tpu.memory_space<semaphore_mem>>) src(%dma_wait3A_26 : memref<512xi32, #tpu.memory_space<hbm>>) dst(%dma_wait3A_25 : memref<512xi32, #tpu.memory_space<vmem>>)
    %dma_wait3A_27 = tpu.memref_slice %arg4[%mul3A_2] : memref<16384xi32, #tpu.memory_space<hbm>> -> memref<512xi32, #tpu.memory_space<hbm>>
    %dma_wait3A_28 = tpu.memref_slice %arg4[%mul3A_2] : memref<16384xi32, #tpu.memory_space<hbm>> -> memref<512xi32, #tpu.memory_space<hbm>>
    tpu.wait_dma2 semaphore(%arg17 : memref<!tpu.dma_semaphore, #tpu.memory_space<semaphore_mem>>) src(%dma_wait3A_28 : memref<512xi32, #tpu.memory_space<hbm>>) dst(%arg13 : memref<512xi32, #tpu.memory_space<vmem>>)
    %scan3A = arith.constant 0 : i32
    %scan3A_29 = arith.constant 0 : i32
    %scan3A_30 = arith.constant 4 : i32
    %scan3A_31 = arith.addi %scan3A_29, %scan3A_30 : i32
    %scan3A_32 = arith.constant 1 : i32
    scf.for %scan3A_44 = %scan3A_29 to %scan3A_31 step %scan3A_32  : i32 {
      %mul3A_45 = arith.constant 128 : i32
      %mul3A_46 = arith.muli %scan3A_44, %mul3A_45 : i32
      %scan3A_47 = arith.constant 0 : i32
      %scan3A_48 = arith.constant 0 : i32
      %scan3A_49 = arith.constant 128 : i32
      %scan3A_50 = arith.addi %scan3A_48, %scan3A_49 : i32
      %scan3A_51 = arith.constant 1 : i32
      scf.for %scan3A_81 = %scan3A_48 to %scan3A_50 step %scan3A_51  : i32 {
        %add3A_82 = arith.addi %mul3A_46, %scan3A_81 : i32
        %get3A = arith.index_cast %add3A_82 : i32 to index
        %get3A_83 = tpu.vector_load %arg11[%get3A] {strides = array<i32>} : memref<528xi32, #tpu.memory_space<vmem>>, vector<16xi32>,
        %slice3A = vector.extract_strided_slice %get3A_83 {offsets = [0], sizes = [1], strides = [1]} : vector<16xi32> to vector<1xi32>
        %squeeze3A = vector.extract %slice3A[0] : i32 from vector<1xi32>
        %add3A_84 = arith.addi %mul3A_46, %scan3A_81 : i32
        %get3A_85 = arith.index_cast %add3A_84 : i32 to index
        %get3A_86 = tpu.vector_load %arg12[%get3A_85] {strides = array<i32>} : memref<528xi32, #tpu.memory_space<vmem>>, vector<16xi32>,
        %slice3A_87 = vector.extract_strided_slice %get3A_86 {offsets = [0], sizes = [1], strides = [1]} : vector<16xi32> to vector<1xi32>
        %squeeze3A_88 = vector.extract %slice3A_87[0] : i32 from vector<1xi32>
        %add3A_89 = arith.addi %mul3A_46, %scan3A_81 : i32
        %get3A_90 = arith.index_cast %add3A_89 : i32 to index
        %get3A_91 = tpu.vector_load %arg13[%get3A_90] {strides = array<i32>} : memref<512xi32, #tpu.memory_space<vmem>>, vector<16xi32>,
        %slice3A_92 = vector.extract_strided_slice %get3A_91 {offsets = [0], sizes = [1], strides = [1]} : vector<16xi32> to vector<1xi32>
        %squeeze3A_93 = vector.extract %slice3A_92[0] : i32 from vector<1xi32>
        %shift_right_logical3A = arith.constant 3 : i32
        %shift_right_logical3A_94 = arith.shrui %squeeze3A, %shift_right_logical3A : i32
        %and3A = arith.constant 7 : i32
        %and3A_95 = arith.andi %squeeze3A, %and3A : i32
        %dma_start3A_96 = arith.constant 0 : i32
        %dma_start3A_97 = tpu.memref_slice %arg14[%scan3A_81, %dma_start3A_96] : memref<128x64xf32, #tpu.memory_space<vmem>> -> memref<1x64xf32, #tpu.memory_space<vmem>>
        %dma_start3A_98 = tpu.memref_squeeze %dma_start3A_97 : memref<1x64xf32, #tpu.memory_space<vmem>> -> memref<64xf32, #tpu.memory_space<vmem>>
        %dma_start3A_99 = arith.constant 0 : i32
        %dma_start3A_100 = tpu.memref_slice %arg5[%shift_right_logical3A_94, %and3A_95, %dma_start3A_99] : memref<125000x8x64xf32, #tpu.memory_space<hbm>> -> memref<1x1x64xf32, #tpu.memory_space<hbm>>
        %dma_start3A_101 = tpu.memref_squeeze %dma_start3A_100 : memref<1x1x64xf32, #tpu.memory_space<hbm>> -> memref<64xf32, #tpu.memory_space<hbm>>
        %dma_start3A_102 = arith.constant 0 : i32
        %dma_start3A_103 = tpu.memref_slice %arg14[%scan3A_81, %dma_start3A_102] : memref<128x64xf32, #tpu.memory_space<vmem>> -> memref<1x64xf32, #tpu.memory_space<vmem>>
        %dma_start3A_104 = tpu.memref_squeeze %dma_start3A_103 : memref<1x64xf32, #tpu.memory_space<vmem>> -> memref<64xf32, #tpu.memory_space<vmem>>
        %dma_start3A_105 = arith.constant 0 : i32
        %dma_start3A_106 = tpu.memref_slice %arg5[%shift_right_logical3A_94, %and3A_95, %dma_start3A_105] : memref<125000x8x64xf32, #tpu.memory_space<hbm>> -> memref<1x1x64xf32, #tpu.memory_space<hbm>>
        %dma_start3A_107 = tpu.memref_squeeze %dma_start3A_106 : memref<1x1x64xf32, #tpu.memory_space<hbm>> -> memref<64xf32, #tpu.memory_space<hbm>>
        tpu.enqueue_dma source(%dma_start3A_107 : memref<64xf32, #tpu.memory_space<hbm>>) target(%dma_start3A_104 : memref<64xf32, #tpu.memory_space<vmem>>) target_semaphore(%arg19 : memref<!tpu.dma_semaphore, #tpu.memory_space<semaphore_mem>>)
        %shift_right_logical3A_108 = arith.constant 3 : i32
        %shift_right_logical3A_109 = arith.shrui %squeeze3A_88, %shift_right_logical3A_108 : i32
        %and3A_110 = arith.constant 7 : i32
        %and3A_111 = arith.andi %squeeze3A_88, %and3A_110 : i32
        %dma_start3A_112 = arith.constant 0 : i32
        %dma_start3A_113 = tpu.memref_slice %arg15[%scan3A_81, %dma_start3A_112] : memref<128x64xf32, #tpu.memory_space<vmem>> -> memref<1x64xf32, #tpu.memory_space<vmem>>
        %dma_start3A_114 = tpu.memref_squeeze %dma_start3A_113 : memref<1x64xf32, #tpu.memory_space<vmem>> -> memref<64xf32, #tpu.memory_space<vmem>>
        %dma_start3A_115 = arith.constant 0 : i32
        %dma_start3A_116 = tpu.memref_slice %arg6[%shift_right_logical3A_109, %and3A_111, %dma_start3A_115] : memref<12500x8x64xf32, #tpu.memory_space<hbm>> -> memref<1x1x64xf32, #tpu.memory_space<hbm>>
        %dma_start3A_117 = tpu.memref_squeeze %dma_start3A_116 : memref<1x1x64xf32, #tpu.memory_space<hbm>> -> memref<64xf32, #tpu.memory_space<hbm>>
        %dma_start3A_118 = arith.constant 0 : i32
        %dma_start3A_119 = tpu.memref_slice %arg15[%scan3A_81, %dma_start3A_118] : memref<128x64xf32, #tpu.memory_space<vmem>> -> memref<1x64xf32, #tpu.memory_space<vmem>>
        %dma_start3A_120 = tpu.memref_squeeze %dma_start3A_119 : memref<1x64xf32, #tpu.memory_space<vmem>> -> memref<64xf32, #tpu.memory_space<vmem>>
        %dma_start3A_121 = arith.constant 0 : i32
        %dma_start3A_122 = tpu.memref_slice %arg6[%shift_right_logical3A_109, %and3A_111, %dma_start3A_121] : memref<12500x8x64xf32, #tpu.memory_space<hbm>> -> memref<1x1x64xf32, #tpu.memory_space<hbm>>
        %dma_start3A_123 = tpu.memref_squeeze %dma_start3A_122 : memref<1x1x64xf32, #tpu.memory_space<hbm>> -> memref<64xf32, #tpu.memory_space<hbm>>
        tpu.enqueue_dma source(%dma_start3A_123 : memref<64xf32, #tpu.memory_space<hbm>>) target(%dma_start3A_120 : memref<64xf32, #tpu.memory_space<vmem>>) target_semaphore(%arg19 : memref<!tpu.dma_semaphore, #tpu.memory_space<semaphore_mem>>)
        %shift_right_logical3A_124 = arith.constant 3 : i32
        %shift_right_logical3A_125 = arith.shrui %squeeze3A_93, %shift_right_logical3A_124 : i32
        %and3A_126 = arith.constant 7 : i32
        %and3A_127 = arith.andi %squeeze3A_93, %and3A_126 : i32
        %add3A_128 = arith.addi %mul3A_46, %scan3A_81 : i32
        %dma_start3A_129 = arith.constant 0 : i32
        %dma_start3A_130 = tpu.memref_slice %arg16[%add3A_128, %dma_start3A_129] : memref<512x32xf32, #tpu.memory_space<vmem>> -> memref<1x32xf32, #tpu.memory_space<vmem>>
        %dma_start3A_131 = tpu.memref_squeeze %dma_start3A_130 : memref<1x32xf32, #tpu.memory_space<vmem>> -> memref<32xf32, #tpu.memory_space<vmem>>
        %dma_start3A_132 = arith.constant 0 : i32
        %dma_start3A_133 = tpu.memref_slice %arg7[%shift_right_logical3A_125, %and3A_127, %dma_start3A_132] : memref<438x8x32xf32, #tpu.memory_space<hbm>> -> memref<1x1x32xf32, #tpu.memory_space<hbm>>
        %dma_start3A_134 = tpu.memref_squeeze %dma_start3A_133 : memref<1x1x32xf32, #tpu.memory_space<hbm>> -> memref<32xf32, #tpu.memory_space<hbm>>
        %dma_start3A_135 = arith.constant 0 : i32
        %dma_start3A_136 = tpu.memref_slice %arg16[%add3A_128, %dma_start3A_135] : memref<512x32xf32, #tpu.memory_space<vmem>> -> memref<1x32xf32, #tpu.memory_space<vmem>>
        %dma_start3A_137 = tpu.memref_squeeze %dma_start3A_136 : memref<1x32xf32, #tpu.memory_space<vmem>> -> memref<32xf32, #tpu.memory_space<vmem>>
        %dma_start3A_138 = arith.constant 0 : i32
        %dma_start3A_139 = tpu.memref_slice %arg7[%shift_right_logical3A_125, %and3A_127, %dma_start3A_138] : memref<438x8x32xf32, #tpu.memory_space<hbm>> -> memref<1x1x32xf32, #tpu.memory_space<hbm>>
        %dma_start3A_140 = tpu.memref_squeeze %dma_start3A_139 : memref<1x1x32xf32, #tpu.memory_space<hbm>> -> memref<32xf32, #tpu.memory_space<hbm>>
        tpu.enqueue_dma source(%dma_start3A_140 : memref<32xf32, #tpu.memory_space<hbm>>) target(%dma_start3A_137 : memref<32xf32, #tpu.memory_space<vmem>>) target_semaphore(%arg19 : memref<!tpu.dma_semaphore, #tpu.memory_space<semaphore_mem>>)
      }
      %scan3A_52 = arith.constant 128 : i32
      %scan3A_53 = arith.constant 0 : i32
      %scan3A_54 = arith.constant 0 : i32
      %scan3A_55 = arith.constant 128 : i32
      %scan3A_56 = arith.addi %scan3A_54, %scan3A_55 : i32
      %scan3A_57 = arith.constant 1 : i32
      scf.for %scan3A_81 = %scan3A_54 to %scan3A_56 step %scan3A_57  : i32 {
        %dma_wait3A_82 = arith.constant 0 : i32
        %dma_wait3A_83 = arith.constant 0 : i32
        %dma_wait3A_84 = arith.constant 0 : i32
        %dma_wait3A_85 = tpu.memref_slice %arg14[%scan3A_81, %dma_wait3A_84] : memref<128x64xf32, #tpu.memory_space<vmem>> -> memref<1x64xf32, #tpu.memory_space<vmem>>
        %dma_wait3A_86 = tpu.memref_squeeze %dma_wait3A_85 : memref<1x64xf32, #tpu.memory_space<vmem>> -> memref<64xf32, #tpu.memory_space<vmem>>
        %dma_wait3A_87 = arith.constant 0 : i32
        %dma_wait3A_88 = tpu.memref_slice %arg5[%dma_wait3A_82, %dma_wait3A_83, %dma_wait3A_87] : memref<125000x8x64xf32, #tpu.memory_space<hbm>> -> memref<1x1x64xf32, #tpu.memory_space<hbm>>
        %dma_wait3A_89 = tpu.memref_squeeze %dma_wait3A_88 : memref<1x1x64xf32, #tpu.memory_space<hbm>> -> memref<64xf32, #tpu.memory_space<hbm>>
        %dma_wait3A_90 = arith.constant 0 : i32
        %dma_wait3A_91 = tpu.memref_slice %arg14[%scan3A_81, %dma_wait3A_90] : memref<128x64xf32, #tpu.memory_space<vmem>> -> memref<1x64xf32, #tpu.memory_space<vmem>>
        %dma_wait3A_92 = tpu.memref_squeeze %dma_wait3A_91 : memref<1x64xf32, #tpu.memory_space<vmem>> -> memref<64xf32, #tpu.memory_space<vmem>>
        %dma_wait3A_93 = arith.constant 0 : i32
        %dma_wait3A_94 = tpu.memref_slice %arg5[%dma_wait3A_82, %dma_wait3A_83, %dma_wait3A_93] : memref<125000x8x64xf32, #tpu.memory_space<hbm>> -> memref<1x1x64xf32, #tpu.memory_space<hbm>>
        %dma_wait3A_95 = tpu.memref_squeeze %dma_wait3A_94 : memref<1x1x64xf32, #tpu.memory_space<hbm>> -> memref<64xf32, #tpu.memory_space<hbm>>
        tpu.wait_dma2 semaphore(%arg19 : memref<!tpu.dma_semaphore, #tpu.memory_space<semaphore_mem>>) src(%dma_wait3A_95 : memref<64xf32, #tpu.memory_space<hbm>>) dst(%dma_wait3A_92 : memref<64xf32, #tpu.memory_space<vmem>>)
        %dma_wait3A_96 = arith.constant 0 : i32
        %dma_wait3A_97 = arith.constant 0 : i32
        %dma_wait3A_98 = arith.constant 0 : i32
        %dma_wait3A_99 = tpu.memref_slice %arg15[%scan3A_81, %dma_wait3A_98] : memref<128x64xf32, #tpu.memory_space<vmem>> -> memref<1x64xf32, #tpu.memory_space<vmem>>
        %dma_wait3A_100 = tpu.memref_squeeze %dma_wait3A_99 : memref<1x64xf32, #tpu.memory_space<vmem>> -> memref<64xf32, #tpu.memory_space<vmem>>
        %dma_wait3A_101 = arith.constant 0 : i32
        %dma_wait3A_102 = tpu.memref_slice %arg6[%dma_wait3A_96, %dma_wait3A_97, %dma_wait3A_101] : memref<12500x8x64xf32, #tpu.memory_space<hbm>> -> memref<1x1x64xf32, #tpu.memory_space<hbm>>
        %dma_wait3A_103 = tpu.memref_squeeze %dma_wait3A_102 : memref<1x1x64xf32, #tpu.memory_space<hbm>> -> memref<64xf32, #tpu.memory_space<hbm>>
        %dma_wait3A_104 = arith.constant 0 : i32
        %dma_wait3A_105 = tpu.memref_slice %arg15[%scan3A_81, %dma_wait3A_104] : memref<128x64xf32, #tpu.memory_space<vmem>> -> memref<1x64xf32, #tpu.memory_space<vmem>>
        %dma_wait3A_106 = tpu.memref_squeeze %dma_wait3A_105 : memref<1x64xf32, #tpu.memory_space<vmem>> -> memref<64xf32, #tpu.memory_space<vmem>>
        %dma_wait3A_107 = arith.constant 0 : i32
        %dma_wait3A_108 = tpu.memref_slice %arg6[%dma_wait3A_96, %dma_wait3A_97, %dma_wait3A_107] : memref<12500x8x64xf32, #tpu.memory_space<hbm>> -> memref<1x1x64xf32, #tpu.memory_space<hbm>>
        %dma_wait3A_109 = tpu.memref_squeeze %dma_wait3A_108 : memref<1x1x64xf32, #tpu.memory_space<hbm>> -> memref<64xf32, #tpu.memory_space<hbm>>
        tpu.wait_dma2 semaphore(%arg19 : memref<!tpu.dma_semaphore, #tpu.memory_space<semaphore_mem>>) src(%dma_wait3A_109 : memref<64xf32, #tpu.memory_space<hbm>>) dst(%dma_wait3A_106 : memref<64xf32, #tpu.memory_space<vmem>>)
        %add3A_110 = arith.addi %mul3A_46, %scan3A_81 : i32
        %dma_wait3A_111 = arith.constant 0 : i32
        %dma_wait3A_112 = arith.constant 0 : i32
        %dma_wait3A_113 = arith.constant 0 : i32
        %dma_wait3A_114 = tpu.memref_slice %arg16[%add3A_110, %dma_wait3A_113] : memref<512x32xf32, #tpu.memory_space<vmem>> -> memref<1x32xf32, #tpu.memory_space<vmem>>
        %dma_wait3A_115 = tpu.memref_squeeze %dma_wait3A_114 : memref<1x32xf32, #tpu.memory_space<vmem>> -> memref<32xf32, #tpu.memory_space<vmem>>
        %dma_wait3A_116 = arith.constant 0 : i32
        %dma_wait3A_117 = tpu.memref_slice %arg7[%dma_wait3A_111, %dma_wait3A_112, %dma_wait3A_116] : memref<438x8x32xf32, #tpu.memory_space<hbm>> -> memref<1x1x32xf32, #tpu.memory_space<hbm>>
        %dma_wait3A_118 = tpu.memref_squeeze %dma_wait3A_117 : memref<1x1x32xf32, #tpu.memory_space<hbm>> -> memref<32xf32, #tpu.memory_space<hbm>>
        %dma_wait3A_119 = arith.constant 0 : i32
        %dma_wait3A_120 = tpu.memref_slice %arg16[%add3A_110, %dma_wait3A_119] : memref<512x32xf32, #tpu.memory_space<vmem>> -> memref<1x32xf32, #tpu.memory_space<vmem>>
        %dma_wait3A_121 = tpu.memref_squeeze %dma_wait3A_120 : memref<1x32xf32, #tpu.memory_space<vmem>> -> memref<32xf32, #tpu.memory_space<vmem>>
        %dma_wait3A_122 = arith.constant 0 : i32
        %dma_wait3A_123 = tpu.memref_slice %arg7[%dma_wait3A_111, %dma_wait3A_112, %dma_wait3A_122] : memref<438x8x32xf32, #tpu.memory_space<hbm>> -> memref<1x1x32xf32, #tpu.memory_space<hbm>>
        %dma_wait3A_124 = tpu.memref_squeeze %dma_wait3A_123 : memref<1x1x32xf32, #tpu.memory_space<hbm>> -> memref<32xf32, #tpu.memory_space<hbm>>
        tpu.wait_dma2 semaphore(%arg19 : memref<!tpu.dma_semaphore, #tpu.memory_space<semaphore_mem>>) src(%dma_wait3A_124 : memref<32xf32, #tpu.memory_space<hbm>>) dst(%dma_wait3A_121 : memref<32xf32, #tpu.memory_space<vmem>>)
      }
      %scan3A_58 = arith.constant 128 : i32
      %add3A_59 = arith.addi %mul3A_2, %mul3A_46 : i32
      %dma_start3A_60 = arith.constant 0 : i32
      %dma_start3A_61 = tpu.memref_slice %arg8[%add3A_59, %dma_start3A_60] : memref<16384x64xf32, #tpu.memory_space<hbm>> -> memref<128x64xf32, #tpu.memory_space<hbm>>
      %dma_start3A_62 = arith.constant 0 : i32
      %dma_start3A_63 = tpu.memref_slice %arg8[%add3A_59, %dma_start3A_62] : memref<16384x64xf32, #tpu.memory_space<hbm>> -> memref<128x64xf32, #tpu.memory_space<hbm>>
      tpu.enqueue_dma source(%arg14 : memref<128x64xf32, #tpu.memory_space<vmem>>) target(%dma_start3A_63 : memref<128x64xf32, #tpu.memory_space<hbm>>) target_semaphore(%arg20 : memref<!tpu.dma_semaphore, #tpu.memory_space<semaphore_mem>>)
      %add3A_64 = arith.addi %mul3A_2, %mul3A_46 : i32
      %dma_start3A_65 = arith.constant 0 : i32
      %dma_start3A_66 = tpu.memref_slice %arg9[%add3A_64, %dma_start3A_65] : memref<16384x64xf32, #tpu.memory_space<hbm>> -> memref<128x64xf32, #tpu.memory_space<hbm>>
      %dma_start3A_67 = arith.constant 0 : i32
      %dma_start3A_68 = tpu.memref_slice %arg9[%add3A_64, %dma_start3A_67] : memref<16384x64xf32, #tpu.memory_space<hbm>> -> memref<128x64xf32, #tpu.memory_space<hbm>>
      tpu.enqueue_dma source(%arg15 : memref<128x64xf32, #tpu.memory_space<vmem>>) target(%dma_start3A_68 : memref<128x64xf32, #tpu.memory_space<hbm>>) target_semaphore(%arg20 : memref<!tpu.dma_semaphore, #tpu.memory_space<semaphore_mem>>)
      %dma_wait3A_69 = arith.constant 0 : i32
      %dma_wait3A_70 = arith.constant 0 : i32
      %dma_wait3A_71 = tpu.memref_slice %arg8[%dma_wait3A_69, %dma_wait3A_70] : memref<16384x64xf32, #tpu.memory_space<hbm>> -> memref<128x64xf32, #tpu.memory_space<hbm>>
      %dma_wait3A_72 = arith.constant 0 : i32
      %dma_wait3A_73 = arith.constant 0 : i32
      %dma_wait3A_74 = tpu.memref_slice %arg8[%dma_wait3A_72, %dma_wait3A_73] : memref<16384x64xf32, #tpu.memory_space<hbm>> -> memref<128x64xf32, #tpu.memory_space<hbm>>
      tpu.wait_dma2 semaphore(%arg20 : memref<!tpu.dma_semaphore, #tpu.memory_space<semaphore_mem>>) src(%arg14 : memref<128x64xf32, #tpu.memory_space<vmem>>) dst(%dma_wait3A_74 : memref<128x64xf32, #tpu.memory_space<hbm>>)
      %dma_wait3A_75 = arith.constant 0 : i32
      %dma_wait3A_76 = arith.constant 0 : i32
      %dma_wait3A_77 = tpu.memref_slice %arg9[%dma_wait3A_75, %dma_wait3A_76] : memref<16384x64xf32, #tpu.memory_space<hbm>> -> memref<128x64xf32, #tpu.memory_space<hbm>>
      %dma_wait3A_78 = arith.constant 0 : i32
      %dma_wait3A_79 = arith.constant 0 : i32
      %dma_wait3A_80 = tpu.memref_slice %arg9[%dma_wait3A_78, %dma_wait3A_79] : memref<16384x64xf32, #tpu.memory_space<hbm>> -> memref<128x64xf32, #tpu.memory_space<hbm>>
      tpu.wait_dma2 semaphore(%arg20 : memref<!tpu.dma_semaphore, #tpu.memory_space<semaphore_mem>>) src(%arg15 : memref<128x64xf32, #tpu.memory_space<vmem>>) dst(%dma_wait3A_80 : memref<128x64xf32, #tpu.memory_space<hbm>>)
    }
    %scan3A_33 = arith.constant 4 : i32
    %dma_start3A_34 = arith.constant 0 : i32
    %dma_start3A_35 = tpu.memref_slice %arg10[%mul3A_2, %dma_start3A_34] : memref<16384x32xf32, #tpu.memory_space<hbm>> -> memref<512x32xf32, #tpu.memory_space<hbm>>
    %dma_start3A_36 = arith.constant 0 : i32
    %dma_start3A_37 = tpu.memref_slice %arg10[%mul3A_2, %dma_start3A_36] : memref<16384x32xf32, #tpu.memory_space<hbm>> -> memref<512x32xf32, #tpu.memory_space<hbm>>
    tpu.enqueue_dma source(%arg16 : memref<512x32xf32, #tpu.memory_space<vmem>>) target(%dma_start3A_37 : memref<512x32xf32, #tpu.memory_space<hbm>>) target_semaphore(%arg20 : memref<!tpu.dma_semaphore, #tpu.memory_space<semaphore_mem>>)
    %dma_wait3A_38 = arith.constant 0 : i32
    %dma_wait3A_39 = arith.constant 0 : i32
    %dma_wait3A_40 = tpu.memref_slice %arg10[%dma_wait3A_38, %dma_wait3A_39] : memref<16384x32xf32, #tpu.memory_space<hbm>> -> memref<512x32xf32, #tpu.memory_space<hbm>>
    %dma_wait3A_41 = arith.constant 0 : i32
    %dma_wait3A_42 = arith.constant 0 : i32
    %dma_wait3A_43 = tpu.memref_slice %arg10[%dma_wait3A_41, %dma_wait3A_42] : memref<16384x32xf32, #tpu.memory_space<hbm>> -> memref<512x32xf32, #tpu.memory_space<hbm>>
    tpu.wait_dma2 semaphore(%arg20 : memref<!tpu.dma_semaphore, #tpu.memory_space<semaphore_mem>>) src(%arg16 : memref<512x32xf32, #tpu.memory_space<vmem>>) dst(%dma_wait3A_43 : memref<512x32xf32, #tpu.memory_space<hbm>>)
    return
  }
}

module attributes {stable_mosaic.version = 14 : i64} {
  func.func @_tc_body(%arg0: i32, %arg1: memref<2048xi32, #tpu.memory_space<vmem>>, %arg2: memref<2048xi32, #tpu.memory_space<vmem>>, %arg3: memref<2048xi32, #tpu.memory_space<vmem>>, %arg4: memref<2048x6xi32, #tpu.memory_space<vmem>>, %arg5: memref<8x16xf32, #tpu.memory_space<vmem>>, %arg6: memref<8x16xf32, #tpu.memory_space<vmem>>, %arg7: memref<24x16xf32, #tpu.memory_space<vmem>>, %arg8: memref<24x32xf32, #tpu.memory_space<vmem>>, %arg9: memref<2048x16xf32, #tpu.memory_space<vmem>>, %arg10: memref<2048x16xf32, #tpu.memory_space<vmem>>, %arg11: memref<2048x16xf32, #tpu.memory_space<vmem>>, %arg12: memref<2048x32xf32, #tpu.memory_space<vmem>>) attributes {dimension_semantics = [#tpu.dimension_semantics<arbitrary>], iteration_bounds = array<i64: 8>, scalar_prefetch = 0 : i64, scratch_operands = 0 : i64, tpu.core_type = #tpu.core_type<tc>, window_params = [{transform_indices = @transform_0, window_bounds = array<i64: 2048>}, {transform_indices = @transform_1, window_bounds = array<i64: 2048>}, {transform_indices = @transform_2, window_bounds = array<i64: 2048>}, {transform_indices = @transform_3, window_bounds = array<i64: 2048, 6>}, {pipeline_mode = #tpu.pipeline_mode<synchronous>, transform_indices = @transform_4, window_bounds = array<i64: 8, 16>}, {pipeline_mode = #tpu.pipeline_mode<synchronous>, transform_indices = @transform_5, window_bounds = array<i64: 8, 16>}, {pipeline_mode = #tpu.pipeline_mode<synchronous>, transform_indices = @transform_6, window_bounds = array<i64: 24, 16>}, {pipeline_mode = #tpu.pipeline_mode<synchronous>, transform_indices = @transform_7, window_bounds = array<i64: 24, 32>}, {transform_indices = @transform_8, window_bounds = array<i64: 2048, 16>}, {transform_indices = @transform_9, window_bounds = array<i64: 2048, 16>}, {transform_indices = @transform_10, window_bounds = array<i64: 2048, 16>}, {transform_indices = @transform_11, window_bounds = array<i64: 2048, 32>}]} {
    %get3A = arith.constant 0 : index
    %get3A_0 = vector.load %arg1[%get3A] : memref<2048xi32, #tpu.memory_space<vmem>>, vector<2048xi32>
    %broadcast_in_dim3A = vector.shape_cast %get3A_0 : vector<2048xi32> to vector<2048x1xi32>
    %iota3A = tpu.iota {dimensions = array<i32: 1>} : vector<2048x8xi32>
    %eq3A = vector.broadcast %broadcast_in_dim3A : vector<2048x1xi32> to vector<2048x8xi32>
    %eq3A_1 = arith.cmpi eq, %eq3A, %iota3A : vector<2048x8xi32>
    %convert_element_type3A = arith.extui %eq3A_1 : vector<2048x8xi1> to vector<2048x8xi32>
    %convert_element_type3A_2 = arith.sitofp %convert_element_type3A : vector<2048x8xi32> to vector<2048x8xf32>
    %get3A_3 = arith.constant 0 : index
    %get3A_4 = arith.constant 0 : index
    %get3A_5 = vector.load %arg5[%get3A_3, %get3A_4] : memref<8x16xf32, #tpu.memory_space<vmem>>, vector<8x16xf32>
    %dot_general3A = arith.constant dense<0.000000e+00> : vector<2048x16xf32>
    %dot_general3A_6 = tpu.matmul %convert_element_type3A_2, %get3A_5, %dot_general3A {dimension_numbers = #tpu.dot_dimension_numbers<[1], [0], [0], [1], [0, 0, 1, 1], [], []>, precision = #tpu.contract_precision<fp32>, transpose_lhs_hint = false} : vector<2048x8xf32>, vector<8x16xf32>, vector<2048x16xf32> -> vector<2048x16xf32>
    %swap3A = arith.constant 0 : index
    %swap3A_7 = arith.constant 0 : index
    %swap3A_8 = vector.load %arg9[%swap3A, %swap3A_7] : memref<2048x16xf32, #tpu.memory_space<vmem>>, vector<2048x16xf32>
    tpu.vector_store %arg9[%swap3A, %swap3A_7], %dot_general3A_6 {strides = array<i32>} : memref<2048x16xf32, #tpu.memory_space<vmem>>, vector<2048x16xf32>,
    %get3A_9 = arith.constant 0 : index
    %get3A_10 = vector.load %arg2[%get3A_9] : memref<2048xi32, #tpu.memory_space<vmem>>, vector<2048xi32>
    %broadcast_in_dim3A_11 = vector.shape_cast %get3A_10 : vector<2048xi32> to vector<2048x1xi32>
    %iota3A_12 = tpu.iota {dimensions = array<i32: 1>} : vector<2048x8xi32>
    %eq3A_13 = vector.broadcast %broadcast_in_dim3A_11 : vector<2048x1xi32> to vector<2048x8xi32>
    %eq3A_14 = arith.cmpi eq, %eq3A_13, %iota3A_12 : vector<2048x8xi32>
    %convert_element_type3A_15 = arith.extui %eq3A_14 : vector<2048x8xi1> to vector<2048x8xi32>
    %convert_element_type3A_16 = arith.sitofp %convert_element_type3A_15 : vector<2048x8xi32> to vector<2048x8xf32>
    %get3A_17 = arith.constant 0 : index
    %get3A_18 = arith.constant 0 : index
    %get3A_19 = vector.load %arg6[%get3A_17, %get3A_18] : memref<8x16xf32, #tpu.memory_space<vmem>>, vector<8x16xf32>
    %dot_general3A_20 = arith.constant dense<0.000000e+00> : vector<2048x16xf32>
    %dot_general3A_21 = tpu.matmul %convert_element_type3A_16, %get3A_19, %dot_general3A_20 {dimension_numbers = #tpu.dot_dimension_numbers<[1], [0], [0], [1], [0, 0, 1, 1], [], []>, precision = #tpu.contract_precision<fp32>, transpose_lhs_hint = false} : vector<2048x8xf32>, vector<8x16xf32>, vector<2048x16xf32> -> vector<2048x16xf32>
    %swap3A_22 = arith.constant 0 : index
    %swap3A_23 = arith.constant 0 : index
    %swap3A_24 = vector.load %arg10[%swap3A_22, %swap3A_23] : memref<2048x16xf32, #tpu.memory_space<vmem>>, vector<2048x16xf32>
    tpu.vector_store %arg10[%swap3A_22, %swap3A_23], %dot_general3A_21 {strides = array<i32>} : memref<2048x16xf32, #tpu.memory_space<vmem>>, vector<2048x16xf32>,
    %get3A_25 = arith.constant 0 : index
    %get3A_26 = vector.load %arg3[%get3A_25] : memref<2048xi32, #tpu.memory_space<vmem>>, vector<2048xi32>
    %broadcast_in_dim3A_27 = vector.shape_cast %get3A_26 : vector<2048xi32> to vector<2048x1xi32>
    %iota3A_28 = tpu.iota {dimensions = array<i32: 1>} : vector<2048x24xi32>
    %eq3A_29 = vector.broadcast %broadcast_in_dim3A_27 : vector<2048x1xi32> to vector<2048x24xi32>
    %eq3A_30 = arith.cmpi eq, %eq3A_29, %iota3A_28 : vector<2048x24xi32>
    %convert_element_type3A_31 = arith.extui %eq3A_30 : vector<2048x24xi1> to vector<2048x24xi32>
    %convert_element_type3A_32 = arith.sitofp %convert_element_type3A_31 : vector<2048x24xi32> to vector<2048x24xf32>
    %get3A_33 = arith.constant 0 : index
    %get3A_34 = arith.constant 0 : index
    %get3A_35 = vector.load %arg7[%get3A_33, %get3A_34] : memref<24x16xf32, #tpu.memory_space<vmem>>, vector<24x16xf32>
    %dot_general3A_36 = arith.constant dense<0.000000e+00> : vector<2048x16xf32>
    %dot_general3A_37 = tpu.matmul %convert_element_type3A_32, %get3A_35, %dot_general3A_36 {dimension_numbers = #tpu.dot_dimension_numbers<[1], [0], [0], [1], [0, 0, 1, 1], [], []>, precision = #tpu.contract_precision<fp32>, transpose_lhs_hint = false} : vector<2048x24xf32>, vector<24x16xf32>, vector<2048x16xf32> -> vector<2048x16xf32>
    %swap3A_38 = arith.constant 0 : index
    %swap3A_39 = arith.constant 0 : index
    %swap3A_40 = vector.load %arg11[%swap3A_38, %swap3A_39] : memref<2048x16xf32, #tpu.memory_space<vmem>>, vector<2048x16xf32>
    tpu.vector_store %arg11[%swap3A_38, %swap3A_39], %dot_general3A_37 {strides = array<i32>} : memref<2048x16xf32, #tpu.memory_space<vmem>>, vector<2048x16xf32>,
    %get3A_41 = arith.constant 0 : index
    %get3A_42 = arith.constant 0 : index
    %get3A_43 = vector.load %arg4[%get3A_41, %get3A_42] : memref<2048x6xi32, #tpu.memory_space<vmem>>, vector<2048x6xi32>
    %slice3A = vector.extract_strided_slice %get3A_43 {offsets = [0, 0], sizes = [2048, 1], strides = [1, 1]} : vector<2048x6xi32> to vector<2048x1xi32>
    %squeeze3A = vector.shape_cast %slice3A : vector<2048x1xi32> to vector<2048xi32>
    %broadcast_in_dim3A_44 = vector.shape_cast %squeeze3A : vector<2048xi32> to vector<2048x1xi32>
    %iota3A_45 = tpu.iota {dimensions = array<i32: 1>} : vector<2048x24xi32>
    %eq3A_46 = vector.broadcast %broadcast_in_dim3A_44 : vector<2048x1xi32> to vector<2048x24xi32>
    %eq3A_47 = arith.cmpi eq, %eq3A_46, %iota3A_45 : vector<2048x24xi32>
    %convert_element_type3A_48 = arith.extui %eq3A_47 : vector<2048x24xi1> to vector<2048x24xi32>
    %convert_element_type3A_49 = arith.sitofp %convert_element_type3A_48 : vector<2048x24xi32> to vector<2048x24xf32>
    %slice3A_50 = vector.extract_strided_slice %get3A_43 {offsets = [0, 1], sizes = [2048, 1], strides = [1, 1]} : vector<2048x6xi32> to vector<2048x1xi32>
    %squeeze3A_51 = vector.shape_cast %slice3A_50 : vector<2048x1xi32> to vector<2048xi32>
    %broadcast_in_dim3A_52 = vector.shape_cast %squeeze3A_51 : vector<2048xi32> to vector<2048x1xi32>
    %iota3A_53 = tpu.iota {dimensions = array<i32: 1>} : vector<2048x24xi32>
    %eq3A_54 = vector.broadcast %broadcast_in_dim3A_52 : vector<2048x1xi32> to vector<2048x24xi32>
    %eq3A_55 = arith.cmpi eq, %eq3A_54, %iota3A_53 : vector<2048x24xi32>
    %convert_element_type3A_56 = arith.extui %eq3A_55 : vector<2048x24xi1> to vector<2048x24xi32>
    %convert_element_type3A_57 = arith.sitofp %convert_element_type3A_56 : vector<2048x24xi32> to vector<2048x24xf32>
    %add3A = arith.addf %convert_element_type3A_49, %convert_element_type3A_57 : vector<2048x24xf32>
    %slice3A_58 = vector.extract_strided_slice %get3A_43 {offsets = [0, 2], sizes = [2048, 1], strides = [1, 1]} : vector<2048x6xi32> to vector<2048x1xi32>
    %squeeze3A_59 = vector.shape_cast %slice3A_58 : vector<2048x1xi32> to vector<2048xi32>
    %broadcast_in_dim3A_60 = vector.shape_cast %squeeze3A_59 : vector<2048xi32> to vector<2048x1xi32>
    %iota3A_61 = tpu.iota {dimensions = array<i32: 1>} : vector<2048x24xi32>
    %eq3A_62 = vector.broadcast %broadcast_in_dim3A_60 : vector<2048x1xi32> to vector<2048x24xi32>
    %eq3A_63 = arith.cmpi eq, %eq3A_62, %iota3A_61 : vector<2048x24xi32>
    %convert_element_type3A_64 = arith.extui %eq3A_63 : vector<2048x24xi1> to vector<2048x24xi32>
    %convert_element_type3A_65 = arith.sitofp %convert_element_type3A_64 : vector<2048x24xi32> to vector<2048x24xf32>
    %add3A_66 = arith.addf %add3A, %convert_element_type3A_65 : vector<2048x24xf32>
    %slice3A_67 = vector.extract_strided_slice %get3A_43 {offsets = [0, 3], sizes = [2048, 1], strides = [1, 1]} : vector<2048x6xi32> to vector<2048x1xi32>
    %squeeze3A_68 = vector.shape_cast %slice3A_67 : vector<2048x1xi32> to vector<2048xi32>
    %broadcast_in_dim3A_69 = vector.shape_cast %squeeze3A_68 : vector<2048xi32> to vector<2048x1xi32>
    %iota3A_70 = tpu.iota {dimensions = array<i32: 1>} : vector<2048x24xi32>
    %eq3A_71 = vector.broadcast %broadcast_in_dim3A_69 : vector<2048x1xi32> to vector<2048x24xi32>
    %eq3A_72 = arith.cmpi eq, %eq3A_71, %iota3A_70 : vector<2048x24xi32>
    %convert_element_type3A_73 = arith.extui %eq3A_72 : vector<2048x24xi1> to vector<2048x24xi32>
    %convert_element_type3A_74 = arith.sitofp %convert_element_type3A_73 : vector<2048x24xi32> to vector<2048x24xf32>
    %add3A_75 = arith.addf %add3A_66, %convert_element_type3A_74 : vector<2048x24xf32>
    %slice3A_76 = vector.extract_strided_slice %get3A_43 {offsets = [0, 4], sizes = [2048, 1], strides = [1, 1]} : vector<2048x6xi32> to vector<2048x1xi32>
    %squeeze3A_77 = vector.shape_cast %slice3A_76 : vector<2048x1xi32> to vector<2048xi32>
    %broadcast_in_dim3A_78 = vector.shape_cast %squeeze3A_77 : vector<2048xi32> to vector<2048x1xi32>
    %iota3A_79 = tpu.iota {dimensions = array<i32: 1>} : vector<2048x24xi32>
    %eq3A_80 = vector.broadcast %broadcast_in_dim3A_78 : vector<2048x1xi32> to vector<2048x24xi32>
    %eq3A_81 = arith.cmpi eq, %eq3A_80, %iota3A_79 : vector<2048x24xi32>
    %convert_element_type3A_82 = arith.extui %eq3A_81 : vector<2048x24xi1> to vector<2048x24xi32>
    %convert_element_type3A_83 = arith.sitofp %convert_element_type3A_82 : vector<2048x24xi32> to vector<2048x24xf32>
    %add3A_84 = arith.addf %add3A_75, %convert_element_type3A_83 : vector<2048x24xf32>
    %slice3A_85 = vector.extract_strided_slice %get3A_43 {offsets = [0, 5], sizes = [2048, 1], strides = [1, 1]} : vector<2048x6xi32> to vector<2048x1xi32>
    %squeeze3A_86 = vector.shape_cast %slice3A_85 : vector<2048x1xi32> to vector<2048xi32>
    %broadcast_in_dim3A_87 = vector.shape_cast %squeeze3A_86 : vector<2048xi32> to vector<2048x1xi32>
    %iota3A_88 = tpu.iota {dimensions = array<i32: 1>} : vector<2048x24xi32>
    %eq3A_89 = vector.broadcast %broadcast_in_dim3A_87 : vector<2048x1xi32> to vector<2048x24xi32>
    %eq3A_90 = arith.cmpi eq, %eq3A_89, %iota3A_88 : vector<2048x24xi32>
    %convert_element_type3A_91 = arith.extui %eq3A_90 : vector<2048x24xi1> to vector<2048x24xi32>
    %convert_element_type3A_92 = arith.sitofp %convert_element_type3A_91 : vector<2048x24xi32> to vector<2048x24xf32>
    %add3A_93 = arith.addf %add3A_84, %convert_element_type3A_92 : vector<2048x24xf32>
    %get3A_94 = arith.constant 0 : index
    %get3A_95 = arith.constant 0 : index
    %get3A_96 = vector.load %arg8[%get3A_94, %get3A_95] : memref<24x32xf32, #tpu.memory_space<vmem>>, vector<24x32xf32>
    %dot_general3A_97 = arith.constant dense<0.000000e+00> : vector<2048x32xf32>
    %dot_general3A_98 = tpu.matmul %add3A_93, %get3A_96, %dot_general3A_97 {dimension_numbers = #tpu.dot_dimension_numbers<[1], [0], [0], [1], [0, 0, 1, 1], [], []>, precision = #tpu.contract_precision<fp32>, transpose_lhs_hint = false} : vector<2048x24xf32>, vector<24x32xf32>, vector<2048x32xf32> -> vector<2048x32xf32>
    %mul3A = arith.constant 0.166666672 : f32
    %mul3A_99 = vector.broadcast %mul3A : f32 to vector<2048x32xf32>
    %mul3A_100 = arith.mulf %dot_general3A_98, %mul3A_99 : vector<2048x32xf32>
    %swap3A_101 = arith.constant 0 : index
    %swap3A_102 = arith.constant 0 : index
    %swap3A_103 = vector.load %arg12[%swap3A_101, %swap3A_102] : memref<2048x32xf32, #tpu.memory_space<vmem>>, vector<2048x32xf32>
    tpu.vector_store %arg12[%swap3A_101, %swap3A_102], %mul3A_100 {strides = array<i32>} : memref<2048x32xf32, #tpu.memory_space<vmem>>, vector<2048x32xf32>,
    return
  }
  func.func @transform_0(%arg0: i32) -> i32 {
    %c0_i32 = arith.constant 0 : i32
    return %arg0 : i32
  }
  func.func @transform_1(%arg0: i32) -> i32 {
    %c0_i32 = arith.constant 0 : i32
    return %arg0 : i32
  }
  func.func @transform_2(%arg0: i32) -> i32 {
    %c0_i32 = arith.constant 0 : i32
    return %arg0 : i32
  }
  func.func @transform_3(%arg0: i32) -> (i32, i32) {
    %c0_i32 = arith.constant 0 : i32
    %c0_i32_0 = arith.constant 0 : i32
    return %arg0, %c0_i32 : i32, i32
  }
  func.func @transform_4(%arg0: i32) -> (i32, i32) {
    %c0_i32 = arith.constant 0 : i32
    %c0_i32_0 = arith.constant 0 : i32
    %c0_i32_1 = arith.constant 0 : i32
    return %c0_i32, %c0_i32_0 : i32, i32
  }
  func.func @transform_5(%arg0: i32) -> (i32, i32) {
    %c0_i32 = arith.constant 0 : i32
    %c0_i32_0 = arith.constant 0 : i32
    %c0_i32_1 = arith.constant 0 : i32
    return %c0_i32, %c0_i32_0 : i32, i32
  }
  func.func @transform_6(%arg0: i32) -> (i32, i32) {
    %c0_i32 = arith.constant 0 : i32
    %c0_i32_0 = arith.constant 0 : i32
    %c0_i32_1 = arith.constant 0 : i32
    return %c0_i32, %c0_i32_0 : i32, i32
  }
  func.func @transform_7(%arg0: i32) -> (i32, i32) {
    %c0_i32 = arith.constant 0 : i32
    %c0_i32_0 = arith.constant 0 : i32
    %c0_i32_1 = arith.constant 0 : i32
    return %c0_i32, %c0_i32_0 : i32, i32
  }
  func.func @transform_8(%arg0: i32) -> (i32, i32) {
    %c0_i32 = arith.constant 0 : i32
    %c0_i32_0 = arith.constant 0 : i32
    return %arg0, %c0_i32 : i32, i32
  }
  func.func @transform_9(%arg0: i32) -> (i32, i32) {
    %c0_i32 = arith.constant 0 : i32
    %c0_i32_0 = arith.constant 0 : i32
    return %arg0, %c0_i32 : i32, i32
  }
  func.func @transform_10(%arg0: i32) -> (i32, i32) {
    %c0_i32 = arith.constant 0 : i32
    %c0_i32_0 = arith.constant 0 : i32
    return %arg0, %c0_i32 : i32, i32
  }
  func.func @transform_11(%arg0: i32) -> (i32, i32) {
    %c0_i32 = arith.constant 0 : i32
    %c0_i32_0 = arith.constant 0 : i32
    return %arg0, %c0_i32 : i32, i32
  }
}

</mosaic_0001>

<sc_bundles>
// kernel: _run.4.cloned.1.call-start
scs
__scs_entry_jumppad:
0x0: {  	(pc) =	sbr.rel $0x88, $3  }
0x1: {  	(tag) =	ssettag $0x0;
	lr =	simm.s32 $0x1  }
0x2: {  	[smem:$0x3F93] =	sst lr;
	_ =	strace $0xD0000000  }
0x3: {  	_ = 	snop  }
0x4: {  	_ = 	snop  }
0x5: {  	_ = 	snop  }
0x6: {  	_ = 	snop  }
0x7: {  	_ = 	snop  }
__scs_overlays_trampoline_lowered:
0x8: {  	[smem:$0x3FA2] =	sst s0  }
0x9: {  	[smem:$0x3FA3] =	sst s1  }
0xa: {  	[smem:$0x3FA4] =	sst s2  }
0xb: {  	[smem:$0x3FA5] =	sst s3  }
0xc: {  	[smem:$0x3FA6] =	sst s4  }
0xd: {  	[smem:$0x3FA7] =	sst s5  }
0xe: {  	[smem:$0x3FA8] =	sst s6  }
0xf: {  	[smem:$0x3FA9] =	sst s7  }
0x10: {  	[smem:$0x3FAA] =	sst s8  }
0x11: {  	[smem:$0x3FAB] =	sst s9;
	s0 =	simm.s32 @!p0 $0x0  }
0x12: {  	s1 =	sld [smem:$0x3F91];
	s0 =	simm.s32 @p0 $0x1  }
0x13: {  	[smem:$0x3FAC] =	sst s0;
	s0 =	simm.s32 @!p1 $0x0  }
0x14: {  	s2 =	sld [smem:$0x3F90];
	s0 =	simm.s32 @p1 $0x1  }
0x15: {  	[smem:$0x3FAD] =	sst s0;
	s0 =	simm.s32 @!p2 $0x0  }
0x16: {  	s3 =	sld [smem:$0x3FDB];
	s0 =	simm.s32 @p2 $0x1  }
0x17: {  	s4 =	simm.s32 $0x1BF5;
	[smem:$0x3FAF] =	sst s0  }
0x18: {  	s0 =	sld [smem:$0x3F92];
	_ =	swait.ge [sflag:s4], $0x0  }
0x19: {  	s7 =	sld [smem:$0x3F93]  }
0x1a: {  	s8 =	sadd.s32 $0xFFFFE003, lr  }
0x1b: {  	s9 =	sadd.s32 $0xFFFFFEF7, lr;
	s5 =	simm.s32 $0xFFFFFFFF;
	p2 =	slt.u32 s8, $0xFFFFF086  }
0x1c: {  	p1 =	slt.u32 s9, $0xF7A;
	s5 =	simm.s32 @!p2 $0x0  }
0x1d: {  	s5 =	simm.s32 @p1 $0x1;
	p0 =	seq.s32 s7, s2  }
0x1e: {  	s7 =	smul.u32 @!p0 $0xF7A, s2;
	p2 =	seq.s32 @!p0 s5, $0x0  }
0x1f: {  	s9 =	smul.u32 $0xF7A, s1;
	s8 =	simm.s32 @!p0 $0x1BF5;
	p2 =	por !p2, p0  }
0x20: {  	[sflag:s8] =	ssyncset.s32 @!p0 $0xFFFFF086;
	s6 =	sadd.s32 @!p0 s3, s7;
	s7 =	simm.s32 @!p0 $0x108  }
0x21: {  	s3 =	sadd.s32 s3, s9;
	s6 =	sadd.s32 @!p0 $0x88, s6;
	s7 =	simm.s32 @p2 $0x1082  }
0x22: {  	[simem:s7], [sflag:s8] =	dma.local @!p0 [hbm:s6], $0xF7A  }
0x23: {  	s9 =	sor.u32 $0xD0000000, s2;
	s6 =	simm.s32 $0x108;
	_ =	swait.ge @!p0 [sflag:s8], $0x0  }
0x24: {  	s3 =	sadd.s32 $0x88, s3;
	s6 =	simm.s32 @!p1 $0x1082;
	[sflag:s4] =	ssyncset.s32 $0xFFFFF086  }
0x25: {  	[simem:s6], [sflag:s4] =	dma.local [hbm:s3], $0xF7A  }
0x26: {  	[smem:$0x3F93] =	sst s1;
	(tag) =	ssettag s2;
	_ =	strace s9  }
0x27: {  	s1 =	sld [smem:$0x3FA3]  }
0x28: {  	s2 =	sld [smem:$0x3FA4]  }
0x29: {  	s4 =	sld [smem:$0x3FA6]  }
0x2a: {  	p0 =	seq.s32 s5, $0x0;
	s5 =	sld [smem:$0x3FA7]  }
0x2b: {  	s6 =	sld [smem:$0x3FA8]  }
0x2c: {  	s7 =	sld [smem:$0x3FA9]  }
0x2d: {  	s3 =	simm.s32 $0x108;
	s8 =	sld [smem:$0x3FAA]  }
0x2e: {  	s3 =	simm.s32 @!p0 $0x1082;
	s9 =	sld [smem:$0x3FAB]  }
0x2f: {  	lr =	sadd.s32 s0, s3;
	s0 =	sld [smem:$0x3FA2]  }
0x30: {  	s3 =	sld [smem:$0x3FA5]  }
0x31: {  	[smem:$0x3FAE] =	sst s10  }
0x32: {  	s10 =	sld [smem:$0x3FAC];
	_ =	sdelay $0x3  }
0x33: {  	p0 =	seq.s32 s10, $0x1;
	s10 =	sld [smem:$0x3FAE];
	_ =	sdelay $0x3  }
0x34: {  	[smem:$0x3FAE] =	sst s10  }
0x35: {  	s10 =	sld [smem:$0x3FAD];
	_ =	sdelay $0x3  }
0x36: {  	p1 =	seq.s32 s10, $0x1;
	s10 =	sld [smem:$0x3FAE];
	_ =	sdelay $0x3  }
0x37: {  	[smem:$0x3FAE] =	sst s10  }
0x38: {  	s10 =	sld [smem:$0x3FAF]  }
0x39: {  	_ = 	snop;
	(pc) =	sbr.ind lr, $3  }
0x3a: {  	_ = 	snop  }
0x3b: {  	_ = 	snop  }
0x3c: {  	p2 =	seq.s32 s10, $0x1;
	s10 =	sld [smem:$0x3FAE]  }
0x3d: {  	_ =	shalt  }
0x3e: {  	_ =	shalt  }
0x3f: {  	_ =	shalt  }
0x40: {  	_ =	shalt  }
0x41: {  	_ =	shalt  }
0x42: {  	_ =	shalt  }
0x43: {  	_ =	shalt  }
0x44: {  	_ =	shalt  }
0x45: {  	_ =	shalt  }
0x46: {  	_ =	shalt  }
0x47: {  	_ =	shalt  }
0x48: {  	_ =	shalt  }
0x49: {  	_ =	shalt  }
0x4a: {  	_ =	shalt  }
0x4b: {  	_ =	shalt  }
0x4c: {  	_ =	shalt  }
0x4d: {  	_ =	shalt  }
0x4e: {  	_ =	shalt  }
0x4f: {  	_ =	shalt  }
0x50: {  	_ =	shalt  }
0x51: {  	_ =	shalt  }
0x52: {  	_ =	shalt  }
0x53: {  	_ =	shalt  }
0x54: {  	_ =	shalt  }
0x55: {  	_ =	shalt  }
0x56: {  	_ =	shalt  }
0x57: {  	_ =	shalt  }
0x58: {  	_ =	shalt  }
0x59: {  	_ =	shalt  }
0x5a: {  	_ =	shalt  }
0x5b: {  	_ =	shalt  }
0x5c: {  	_ =	shalt  }
0x5d: {  	_ =	shalt  }
0x5e: {  	_ =	shalt  }
0x5f: {  	_ =	shalt  }
0x60: {  	_ =	shalt  }
0x61: {  	_ =	shalt  }
0x62: {  	_ =	shalt  }
0x63: {  	_ =	shalt  }
0x64: {  	_ =	shalt  }
0x65: {  	_ =	shalt  }
0x66: {  	_ =	shalt  }
0x67: {  	_ =	shalt  }
0x68: {  	_ =	shalt  }
0x69: {  	_ =	shalt  }
0x6a: {  	_ =	shalt  }
0x6b: {  	_ =	shalt  }
0x6c: {  	_ =	shalt  }
0x6d: {  	_ =	shalt  }
0x6e: {  	_ =	shalt  }
0x6f: {  	_ =	shalt  }
0x70: {  	_ =	shalt  }
0x71: {  	_ =	shalt  }
0x72: {  	_ =	shalt  }
0x73: {  	_ =	shalt  }
0x74: {  	_ =	shalt  }
0x75: {  	_ =	shalt  }
0x76: {  	_ =	shalt  }
0x77: {  	_ =	shalt  }
0x78: {  	_ =	shalt  }
0x79: {  	_ =	shalt  }
0x7a: {  	_ =	shalt  }
0x7b: {  	_ =	shalt  }
0x7c: {  	_ =	shalt  }
0x7d: {  	_ =	shalt  }
0x7e: {  	_ =	shalt  }
0x7f: {  	_ =	shalt  }
0x80: {  	_ =	shalt  }
0x81: {  	_ =	shalt  }
0x82: {  	_ =	shalt  }
0x83: {  	_ =	shalt  }
0x84: {  	_ =	shalt  }
0x85: {  	_ =	shalt  }
0x86: {  	_ =	shalt  }
0x87: {  	_ =	shalt  }
.Lfunc_end0:
.L_simem_size_0:
called_computation_lowered:
.L_overlay_start_0:
0x88: {  	s2 =	sld [smem:$0x3FD9]  }
0x89: {  	s3 =	sld [smem:$0x3FFE];
	_ =	sdelay $0x1  }
0x8a: {  	s1 =	srdreg.scid  }
0x8b: {  	s0 =	sand.u32 $0x1, s1  }
0x8c: {  	s14 =	sshll.u32 s0, $0xA;
	s2 =	sadd.s32 s3, s2  }
0x8d: {  	s2 =	sadd.s32 s2, s14  }
0x8e: {  	[smem:$0x3FBA] =	sst s2  }
0x8f: {  	_ = 	snop  }
0x90: {  	s2 =	sld [smem:$0x3FD0]  }
0x91: {  	s15 =	sld [smem:$0x3FC9]  }
0x92: {  	s4 =	sld [smem:$0x3FC8]  }
0x93: {  	s6 =	simm.s32 $0xA;
	s7 =	simm.s32 $0x10;
	s5 =	sld [smem:$0x3FC4]  }
0x94: {  	[smem:s7], [sflag:s6] =	dma.local [hbm:s2], $0x1  }
0x95: {  	_ =	swait.eq [sflag:s6], $0x1  }
0x96: {  	[sflag:s6] =	ssyncset.done $0x0  }
0x97: {  	[sflag:s6] =	ssyncadd.s32 $0xFFFFFFFF  }
0x98: {  	s16 =	sld [smem:$0x15];
	(tm) =	ssettm $0x1  }
0x99: {  	s17 =	sld [smem:$0x3FFB];
	_ =	sdelay $0x3  }
0x9a: {  	_ =	strace s17  }
0x9b: {  	s6 =	sld [smem:$0x3FFC];
	_ =	sdelay $0x3  }
0x9c: {  	_ =	strace s6  }
0x9d: {  	s6 =	sld [smem:$0x3FFD];
	_ =	sdelay $0x3  }
0x9e: {  	_ =	strace s6  }
0x9f: {  	_ =	strace $0x8FFFFFFF  }
0xa0: {  	s18 =	sld [smem:$0x3FDB];
	_ =	sdelay $0x1  }
0xa1: {  	s19 =	simm.s32 $_scs_section_size  }
0xa2: {  	s8 =	simm.s32 $_size__tile_overlayer_lowered;
	s9 =	simm.s32 $_tile_overlayer_lowered  }
0xa3: {  	s22 =	simm.s32 $0x1BFF;
	s21 =	sshll.u32 s9, $0x1;
	s6 =	sadd.s32 s19, s18  }
0xa4: {  	s10 =	simm.s32 $0x0;
	s20 =	sshll.u32 s8, $0x1;
	s8 =	sadd.s32 s21, s6  }
0xa5: {  	[timem:s10], [sflag:s22] =	dma.local [hbm:s8], s20  }
0xa6: {  	_ =	swait.ge [sflag:s22], s20  }
0xa7: {  	s7 =	ssub.s32 $0x0, s20;
	[sflag:s22] =	ssyncset.done $0x0  }
0xa8: {  	[sflag:s22] =	ssyncadd.s32 s7;
	_ =	sdelay $0x1  }
0xa9: {  	s23 =	simm.s32 $0x1B8B  }
0xaa: {  	_ =	swait.ge [sflag:s23], $0x1  }
0xab: {  	[sflag:s23] =	ssyncset.done $0x0  }
0xac: {  	s25 =	simm.s32 $0x1B8E;
	s24 =	sld [smem:$0x3FFE];
	[sflag:s23] =	ssyncadd.s32 $0xFFFFFFFF  }
0xad: {  	s26 =	simm.s32 $execute0_lowered;
	[smem:$0x3FD2] =	sst s25  }
0xae: {  	s8 =	sshll.u32 s26, $0x1;
	_ =	strace $0x80000046;
	[dreg:$0x1] =	wrdreg $0xFFFFFFFF  }
0xaf: {  	s28 =	simm.s32 $_size_execute0_lowered;
	s6 =	sadd.s32 s6, s8;
	[dreg:$0x0] =	wrdreg $0x0  }
0xb0: {  	s8 =	sshll.u32 s28, $0x1;
	[dreg:$0x2] =	wrdreg s6  }
0xb1: {  	[dreg:$0x3] =	wrdreg s8  }
0xb2: {  	[dreg:$0x4] =	wrdreg $0xC0  }
0xb3: {  	_ =	task [dreg:s10], $0x5FFFF  }
0xb4: {  	[dreg:$0x1] =	wrdreg $0xFFFFFFFF  }
0xb5: {  	[dreg:$0x0] =	wrdreg $0x60  }
0xb6: {  	[dreg:$0x2] =	wrdreg s15  }
0xb7: {  	[dreg:$0x3] =	wrdreg s4  }
0xb8: {  	[dreg:$0x4] =	wrdreg s5  }
0xb9: {  	[dreg:$0x5] =	wrdreg s24  }
0xba: {  	[dreg:$0x6] =	wrdreg s16  }
0xbb: {  	[dreg:$0x7] =	wrdreg $0x9  }
0xbc: {  	_ =	task.clear_ibuf [dreg:s10], $0x8FFFF;
	_ =	strace $0x90000046  }
0xbd: {  	s29 =	simm.s32 $0x9;
	_ =	strace $0x80000048  }
0xbe: {  	_ =	swait.ge [sflag:s29], $0x1  }
0xbf: {  	[sflag:s29] =	ssyncadd.s32 $0xFFFFFFFF  }
0xc0: {  	_ =	strace $0x90000048  }
0xc1: {  	_ =	sfence  }
0xc2: {  	s30 =	sld [smem:$0x0];
	_ =	sdelay $0x2  }
0xc3: {  	s31 =	sshll.u32 s1, $0xD;
	s1 =	sshrl.u32 s1, $0x2  }
0xc4: {  	s3 =	sand.u32 $0x4000, s31;
	s1 =	sadd.s32 s1, s30  }
0xc5: {  	s0 =	sor.u32 s3, s0;
	s1 =	sshll.u32 s1, $0x11  }
0xc6: {  	s0 =	sor.u32 s1, s0  }
0xc7: {  	s0 =	sadd.s32 $0x8F2B, s0  }
0xc8: {  	[sflag:s0] =	ssyncadd.remote.s32 $0x1  }
0xc9: {  	_ =	sfence.sel $0xFFFF  }
0xca: {  	[dreg:$0x0] =	wrdreg $0xFFFFFFFF;
	(pc) =	sbr.abs _section_cstart, $3  }
0xcb: {  	[dreg:$0x1] =	wrdreg $0xFFFFFFFF  }
0xcc: {  	_ =	task.clear_ibuf [dreg:s10], $0x2FFFF;
	_ =	strace $0x9FFFFFFF  }
0xcd: {  	(tm) =	ssettm $0x7FFFFFFF  }
tec
execute0_lowered:
.L_overlay_start_1:
0x0: {  	(tag) =	ssettag $0x1  }
0x1: {  	s0 =	rddreg [dreg:$0x0]  }
0x2: {  	s10 =	rddreg [dreg:$0x1]  }
0x3: {  	s11 =	rddreg [dreg:$0x2]  }
0x4: {  	s9 =	rddreg [dreg:$0x3]  }
0x5: {  	s1 =	rddreg [dreg:$0x4]  }
0x6: {  	s2 =	simm.s32 $0x0;
	s5 =	srdreg.scid;
	s3 =	stileid.u32  }
0x7: {  	s15 =	simm.s32 $0x2;
	s16 =	simm.s32 $0x700;
	s17 =	simm.s32 $0x4700  }
0x8: {  	s18 =	simm.s32 $0x3;
	s20 =	simm.s32 $0x0;
	[smem:$0x7FF] =	sst s2  }
0x9: {  	s4 =	sadd.s32 $0x3600, s9;
	s8 =	sand.u32 $0x1, s5;
	s5 =	sadd.s32 $0xF45A00, s9  }
0xa: {  	s7 =	sshll.u32 s3, $0xA;
	s6 =	sadd.s32 $0x10CC400, s9;
	s12 =	sshll.u32 s8, $0x9  }
0xb: {  	_ =	strace $0x80000047;
	s30 =	ssub.s32 $0x2, s8;
	s7 =	sor.u32 s12, s7  }
0xc: {  	s8 =	sadd.s32 $0x110C400, s9;
	s14 =	sshrl.u32 s30, $0x1;
	s13 =	sshll.u32 s7, $0x4  }
0xd: {  	s14 =	ssub.s32 s30, s14;
	s31 =	sshrl.u32 s7, $0x3;
	s13 =	sadd.s32 s13, s9  }
0xe: {  	s9 =	sadd.s32 s0, s31;
	s10 =	sadd.s32 s10, s31;
	s11 =	sadd.s32 s11, s31  }
0xf: {  	s12 =	sadd.s32 $0x114C400, s13;
	s13 =	smax.u32 s14, $0x1;
	s14 =	simm.s32 $0x1  }
.LBB2_1:
0x10: {  	[tilespmem:s2], [sflag:$0x1] =	stream.linear.gather [hbm4b:s9+s2], $0x200, $0x38;
	[tilespmem:$0x18700] =	vst v63  }
0x11: {  	s21 =	simm.s32 $0x280  }
0x12: {  	[tilespmem:s21], [sflag:$0x1] =	stream.linear.gather [hbm4b:s10+s2], $0x200, $0x38;
	[tilespmem:$0x18700] =	vst v63  }
0x13: {  	s22 =	simm.s32 $0x500  }
0x14: {  	[tilespmem:s22], [sflag:$0x1] =	stream.linear.gather [hbm4b:s11+s2], $0x200, $0x38;
	[tilespmem:$0x18700] =	vst v63  }
0x15: {  	_ =	swait.ge [sflag:s14], $0x200  }
0x16: {  	[sflag:s14] =	ssyncset.done $0x0  }
0x17: {  	[sflag:s14] =	ssyncadd.s32 $0xFFFFFE00  }
0x18: {  	_ =	swait.ge [sflag:s14], $0x200  }
0x19: {  	[sflag:s14] =	ssyncset.done $0x0  }
0x1a: {  	[sflag:s14] =	ssyncadd.s32 $0xFFFFFE00  }
0x1b: {  	_ =	swait.ge [sflag:s14], $0x200  }
0x1c: {  	s23 =	simm.s32 $0x8700;
	[sflag:s14] =	ssyncset.done $0x0  }
0x1d: {  	s24 =	simm.s32 $0x0;
	s25 =	simm.s32 $0x0;
	[sflag:s14] =	ssyncadd.s32 $0xFFFFFE00  }
.LBB2_2:
0x1e: {  	v2 =	vmov s24  }
0x1f: {  	v1 =	vmov s21  }
0x20: {  	v0 =	vmov s22;
	_ =	sdelay $0x1  }
0x21: {  	s0 =	simm.s32 $0x0  }
0x22: {  	v3 =	vld.idx.msk [tilespmem:v2+s0+$0x0 ss:$0x1], $0xffff  }
0x23: {  	v4 =	vld.idx.msk [tilespmem:v1+s0+$0x0 ss:$0x1], $0xffff  }
0x24: {  	v5 =	vld.idx.msk [tilespmem:v0+s0+$0x0 ss:$0x1], $0xffff;
	_ =	sdelay $0x2  }
0x25: {  	(v2sf) =	vpush v3, $0x0  }
0x26: {  	(v2sf) =	vpush v4, $0x0  }
0x27: {  	(v2sf) =	vpush v5, $0x0;
	_ =	sdelay $0xc  }
0x28: {  	s26 =	spop (v2sf)  }
0x29: {  	s28 =	simm.s32 $0x700;
	s0 =	sshll.u32 s26, $0x4;
	s26 =	spop (v2sf)  }
0x2a: {  	s0 =	sand.u32 $0x1FFFFFF0, s0;
	s26 =	sshll.u32 s26, $0x4;
	s29 =	spop (v2sf)  }
0x2b: {  	s0 =	sadd.s32 s4, s0;
	s26 =	sand.u32 $0x1FFFFFF0, s26;
	s30 =	sshll.u32 s29, $0x4  }
0x2c: {  	[tilespmem:s28], [sflag:$0x2] =	stream.linear.gather [hbm4b:s0+s2], $0x80, $0x38;
	[tilespmem:$0x18700] =	vst v63  }
0x2d: {  	s29 =	simm.s32 $0x4700;
	s3 =	sadd.s32 s5, s26;
	s19 =	sand.u32 $0x1FFFFFF0, s30  }
0x2e: {  	[tilespmem:s29], [sflag:$0x2] =	stream.linear.gather [hbm4b:s3+s2], $0x80, $0x38;
	[tilespmem:$0x18700] =	vst v63  }
0x2f: {  	s0 =	simm.s32 $0x1;
	s26 =	sadd.s32 s1, s19  }
0x30: {  	[tilespmem:s23], [sflag:$0x2] =	stream.linear.gather [hbm4b:s26+s2], $0x80, $0x38;
	[tilespmem:$0x18700] =	vst v63  }
0x31: {  	s31 =	simm.s32 $0x8;
	s30 =	smov.u32 s23;
	s26 =	sshll.u32 s25, $0x7;
	v3 =	vld.idx.msk [tilespmem:v2+s0+$0x0 ss:$0x1], $0xffff  }
.LBB2_3:
0x32: {  	p0 =	sne.s32 s31, $0x1FC;
	v4 =	vld.idx.msk [tilespmem:v1+s0+$0x0 ss:$0x1], $0xffff  }
0x33: {  	v5 =	vld.idx.msk [tilespmem:v0+s0+$0x0 ss:$0x1], $0xffff;
	_ =	sdelay $0x3  }
0x34: {  	(v2sf) =	vpush v3, $0x0  }
0x35: {  	(v2sf) =	vpush v4, $0x0  }
0x36: {  	(v2sf) =	vpush v5, $0x0;
	_ =	sdelay $0xc  }
0x37: {  	s28 =	sadd.s32 $0x80, s28;
	s0 =	spop (v2sf)  }
0x38: {  	s29 =	sadd.s32 $0x80, s29;
	s0 =	sshll.u32 s0, $0x4;
	s3 =	spop (v2sf)  }
0x39: {  	s0 =	sand.u32 $0x1FFFFFF0, s0;
	s3 =	sshll.u32 s3, $0x4;
	s19 =	spop (v2sf)  }
0x3a: {  	s0 =	sadd.s32 s4, s0;
	s3 =	sand.u32 $0x1FFFFFF0, s3;
	s19 =	sshll.u32 s19, $0x4  }
0x3b: {  	[tilespmem:s28], [sflag:$0x2] =	stream.linear.gather [hbm4b:s0+s2], $0x80, $0x38;
	[tilespmem:$0x18700] =	vst v63  }
.Ltmp0:
0x3c: {  	s0 =	sadd.s32 s5, s3;
	s3 =	sand.u32 $0x1FFFFFF0, s19;
	(pc) =	sbr.rel @p0 .LBB2_3-.Ltmp0, $4  }
0x3d: {  	[tilespmem:s29], [sflag:$0x2] =	stream.linear.gather [hbm4b:s0+s2], $0x80, $0x38;
	[tilespmem:$0x18700] =	vst v63  }
0x3e: {  	s30 =	sadd.s32 $0x80, s30;
	s3 =	sadd.s32 s1, s3;
	s0 =	sshra.s32 s31, $0x2  }
0x3f: {  	[tilespmem:s30], [sflag:$0x2] =	stream.linear.gather [hbm4b:s3+s2], $0x80, $0x38;
	[tilespmem:$0x18700] =	vst v63  }
0x40: {  	s31 =	sadd.s32 $0x4, s31;
	v3 =	vld.idx.msk [tilespmem:v2+s0+$0x0 ss:$0x1], $0xffff  }
0x41: {  	_ =	sdelay $0x3  }
0x42: {  	v1 =	vld.idx.msk [tilespmem:v1+s0+$0x0 ss:$0x1], $0xffff  }
0x43: {  	v0 =	vld.idx.msk [tilespmem:v0+s0+$0x0 ss:$0x1], $0xffff;
	_ =	sdelay $0x2  }
0x44: {  	(v2sf) =	vpush v3, $0x0  }
0x45: {  	(v2sf) =	vpush v1, $0x0  }
0x46: {  	(v2sf) =	vpush v0, $0x0;
	_ =	sdelay $0xc  }
0x47: {  	s3 =	spop (v2sf)  }
0x48: {  	s19 =	sadd.s32 $0x80, s28;
	s0 =	sshll.u32 s3, $0x4;
	s3 =	spop (v2sf)  }
0x49: {  	s0 =	sand.u32 $0x1FFFFFF0, s0;
	s3 =	sshll.u32 s3, $0x4;
	s28 =	spop (v2sf)  }
0x4a: {  	s0 =	sadd.s32 s4, s0;
	s3 =	sand.u32 $0x1FFFFFF0, s3;
	s28 =	sshll.u32 s28, $0x4  }
0x4b: {  	[tilespmem:s19], [sflag:$0x2] =	stream.linear.gather [hbm4b:s0+s2], $0x80, $0x38;
	[tilespmem:$0x18700] =	vst v63  }
0x4c: {  	s31 =	sadd.s32 $0x80, s29;
	s19 =	sadd.s32 s5, s3;
	s3 =	sand.u32 $0x1FFFFFF0, s28  }
0x4d: {  	[tilespmem:s31], [sflag:$0x2] =	stream.linear.gather [hbm4b:s19+s2], $0x80, $0x38;
	[tilespmem:$0x18700] =	vst v63  }
0x4e: {  	s29 =	sadd.s32 s1, s3;
	s31 =	sadd.s32 $0x80, s30  }
0x4f: {  	[tilespmem:s31], [sflag:$0x2] =	stream.linear.gather [hbm4b:s29+s2], $0x80, $0x38;
	[tilespmem:$0x18700] =	vst v63  }
0x50: {  	_ =	swait.ge [sflag:s15], $0x80  }
0x51: {  	[sflag:s15] =	ssyncset.done $0x0  }
0x52: {  	[sflag:s15] =	ssyncadd.s32 $0xFFFFFF80  }
0x53: {  	_ =	swait.ge [sflag:s15], $0x80  }
0x54: {  	[sflag:s15] =	ssyncset.done $0x0  }
0x55: {  	[sflag:s15] =	ssyncadd.s32 $0xFFFFFF80  }
0x56: {  	_ =	swait.ge [sflag:s15], $0x80  }
0x57: {  	s28 =	simm.s32 $0x7F;
	[sflag:s15] =	ssyncset.done $0x0  }
.LBB2_5:
0x58: {  	p0 =	sne.s32 s28, $0x1;
	s28 =	sadd.s32 $0xFFFFFFFF, s28;
	[sflag:s15] =	ssyncadd.s32 $0xFFFFFF80  }
0x59: {  	_ =	swait.ge [sflag:s15], $0x80  }
0x5a: {  	[sflag:s15] =	ssyncset.done $0x0  }
0x5b: {  	[sflag:s15] =	ssyncadd.s32 $0xFFFFFF80  }
.Ltmp1:
0x5c: {  	_ =	swait.ge [sflag:s15], $0x80;
	(pc) =	sbr.rel @p0 .LBB2_5-.Ltmp1, $4  }
0x5d: {  	[sflag:s15] =	ssyncset.done $0x0  }
0x5e: {  	[sflag:s15] =	ssyncadd.s32 $0xFFFFFF80  }
0x5f: {  	_ =	swait.ge [sflag:s15], $0x80  }
0x60: {  	[sflag:s15] =	ssyncset.done $0x0  }
0x61: {  	s0 =	sor.u32 s7, s26  }
0x62: {  	s0 =	sshll.u32 s0, $0x4  }
0x63: {  	[sflag:s15] =	ssyncadd.s32 $0xFFFFFF80;
	s3 =	sadd.s32 s6, s0  }
0x64: {  	[hbm4b:s3+s2] =	stream.linear.scatter [tilespmem:s16], [sflag:$0x3], $0x4000, $0x38;
	[tilespmem:$0x18700] =	vst v63  }
0x65: {  	s25 =	sadd.s32 $0x1, s25;
	s0 =	sadd.s32 s8, s0  }
0x66: {  	[hbm4b:s0+s2] =	stream.linear.scatter [tilespmem:s17], [sflag:$0x3], $0x4000, $0x38;
	[tilespmem:$0x18700] =	vst v63  }
0x67: {  	p0 =	sne.s32 s25, $0x4;
	_ =	swait.ge [sflag:s18], $0x4000  }
.Ltmp2:
0x68: {  	[sflag:s18] =	ssyncset.done $0x0;
	(pc) =	sbr.rel @p0 .LBB2_2-.Ltmp2, $4  }
0x69: {  	[sflag:s18] =	ssyncadd.s32 $0xFFFFC000  }
0x6a: {  	_ =	swait.ge [sflag:s18], $0x4000  }
0x6b: {  	s24 =	sadd.s32 $0x80, s24;
	s21 =	sadd.s32 $0x80, s21;
	[sflag:s18] =	ssyncset.done $0x0  }
0x6c: {  	s22 =	sadd.s32 $0x80, s22;
	s23 =	sadd.s32 $0x4000, s23;
	[sflag:s18] =	ssyncadd.s32 $0xFFFFC000  }
0x6d: {  	s20 =	sadd.s32 $0x1, s20  }
0x6e: {  	p0 =	sne.s32 s20, s13  }
.Ltmp3:
0x6f: {  	s0 =	simm.s32 $0x8700;
	(pc) =	sbr.rel @p0 .LBB2_1-.Ltmp3, $4  }
0x70: {  	[hbm4b:s12+s2] =	stream.linear.scatter [tilespmem:s0], [sflag:$0x3], $0x10000, $0x38;
	[tilespmem:$0x18700] =	vst v63  }
0x71: {  	_ =	swait.ge [sflag:s18], $0x10000  }
0x72: {  	[sflag:s18] =	ssyncset.done $0x0  }
0x73: {  	[sflag:s18] =	ssyncadd.s32 $0xFFFF0000  }
0x74: {  	_ =	sfence.sel $0x180000  }
0x75: {  	[bflag:$0x0] =	sbarrier.arrive $0xFFFF  }
0x76: {  	_ =	strace $0x90000047  }
0x77: {  	s0 =	stileid.u32;
	[bflag:$0x2] =	sbarrier.arrive $0xFFFF  }
0x78: {  	p0 =	sne.s32 s0, $0x0;
	s0 =	rddreg [dreg:$0x5]  }
0x79: {  	s0 =	sadd.s32 @!p0 $0x100000, s0  }
0x7a: {  	[sflag:s0] =	ssyncadd.tile.s32 @!p0 $0x1;
	_ =	shalt  }
.Lfunc_end2:
_tile_overlayer_lowered:
.L_overlay_start_2:
0x7b: {  	(tag) =	ssettag $0x2  }
0x7c: {  	s0 =	rddreg [dreg:$0x0];
	s2 =	stileid.u32  }
0x7d: {  	s1 =	rddreg [dreg:$0x1];
	p0 =	sne.s32 s2, $0x0  }
0x7e: {  	s3 =	rddreg [dreg:$0x2];
	[bflag:$0x3] =	sbarrier.arrive $0xFFFF;
	s2 =	simm.s32 @!p0 $0x1C04  }
0x7f: {  	[timem:s3], [sflag:s2] =	dma.local @!p0 [hbm:s0], s1  }
0x80: {  	s0 =	simm.s32 @!p0 $0x4  }
0x81: {  	_ =	swait.ge @!p0 [sflag:s0], s1  }
0x82: {  	s1 =	ssub.s32 @!p0 $0x0, s1;
	[sflag:s0] =	ssyncset.done @!p0 $0x0  }
0x83: {  	[sflag:s0] =	ssyncadd.s32 @!p0 s1  }
0x84: {  	[bflag:$0x3] =	sbarrier.arrive $0xFFFF  }
0x85: {  	_ =	shalt  }

</sc_bundles>
